<compile_context>
chip_gen: v7x
topology: tpu7x:2x2x1
jax: 0.10.2.dev20260603
libtpu: 0.0.44.dev20260713+nightly
codegen_flags: <defaults>
</compile_context>

<pallas_src>
import functools

import jax
import jax.numpy as jnp
from jax import lax
from jax.experimental import pallas as pl
from jax.experimental.pallas import tpu as pltpu
from jax.experimental.pallas import tpu_sc as plsc

_N = 16384
_D = 128
_L = 16
_NC = 2
_NS = 16
_NW = _NC * _NS
_RPW = _N // _NW
_B = 256
_REP = _RPW // _B


def _emb_body(table_hbm, out_hbm, tab_v, blk_v, sem):
    wid = lax.axis_index("s") * _NC + lax.axis_index("c")
    base = wid * _RPW

    pltpu.sync_copy(table_hbm, tab_v)

    svecs = []
    for i in range(_D // _L):
        x = tab_v[0, pl.ds(i * _L, _L)]
        svecs.append(1.0 / (1.0 + jnp.exp(-x)))

    def _fill(r, carry):
        for i in range(_D // _L):
            blk_v[r, pl.ds(i * _L, _L)] = svecs[i]
        return carry

    lax.fori_loop(0, _B, _fill, 0)

    copies = [
        pltpu.async_copy(blk_v, out_hbm.at[pl.ds(base + j * _B, _B)], sem)
        for j in range(_REP)
    ]
    for c in copies:
        c.wait()


@functools.partial(jax.jit, static_argnames=())
def _emb_sigmoid(table):
    mesh = plsc.VectorSubcoreMesh(core_axis_name="c", subcore_axis_name="s")
    fn = functools.partial(
        pl.kernel,
        mesh=mesh,
        out_type=jax.ShapeDtypeStruct((_N, _D), jnp.float32),
        scratch_types=[
            pltpu.VMEM((1, _D), jnp.float32),
            pltpu.VMEM((_B, _D), jnp.float32),
            pltpu.SemaphoreType.DMA,
        ],
    )(_emb_body)
    return fn(table)


def kernel(input, table):
    return _emb_sigmoid(table)

# --- scband reference (transcript-rebuilt; emitter-appended) ---
"""Pipeline reference for scband-emb-32693291057890 (READ-ONLY COPY).

The authoritative reference and input builder live on the scoring server;
editing this copy changes nothing except your own understanding.
"""

import jax, jax.numpy as jnp
import numpy as np


def setup_inputs(seed: int = 0) -> dict:
    key = jax.random.key(seed)
    k_tab = jax.random.fold_in(key, 1)
    # indices must all be 0 since the embedding table has exactly 1 row
    indices = jnp.zeros((16384,), dtype=jnp.int32)
    # learned parameter: embedding table of shape [num_embeddings=1, num_in=128]
    table = jax.random.normal(k_tab, (1, 128), dtype=jnp.float32)
    return {"input": indices, "table": table}


def reference(input, table):
    # nn.Embedding lookup: gather rows of the table by index
    emb = jnp.take(table, input, axis=0)  # [16384, 128]
    # torch.nn.Sigmoid activation
    out = jax.nn.sigmoid(emb)
    return out

if __name__ == "__main__":
    import jax
    _d = setup_inputs()
    print(jax.jit(kernel)(*tuple(_d.values())))

</pallas_src>

<mosaic_0001>
#map = affine_map<(d0, d1) -> (0, 0)>
module attributes {stable_mosaic.version = 14 : i64} {
  func.func @_emb_body(%arg0: i32, %arg1: i32, %arg2: memref<1x128xf32, #tpu.memory_space<hbm>>, %arg3: memref<16384x128xf32, #tpu.memory_space<hbm>>, %arg4: memref<1x128xf32, #tpu.memory_space<vmem>>, %arg5: memref<256x128xf32, #tpu.memory_space<vmem>>, %arg6: memref<!tpu.dma_semaphore, #tpu.memory_space<semaphore_mem>>) attributes {dimension_semantics = [#tpu.dimension_semantics<core_parallel>, #tpu.dimension_semantics<subcore_parallel>], iteration_bounds = array<i64: 2, 16>, scalar_prefetch = 0 : i64, scratch_operands = 3 : i64, tpu.core_type = #tpu.core_type<sc_vector_subcore>, window_params = [{transform_indices = #map}, {transform_indices = #map}]} {
    %mul3A = arith.constant 2 : i32
    %mul3A_0 = arith.muli %arg1, %mul3A : i32
    %add3A = arith.addi %mul3A_0, %arg0 : i32
    %mul3A_1 = arith.constant 512 : i32
    %mul3A_2 = arith.muli %add3A, %mul3A_1 : i32
    "tpu.region"() ({
      %run_scoped3A = tpu.sem_alloc : memref<!tpu.dma_semaphore, #tpu.memory_space<semaphore_mem>>
      tpu.enqueue_dma source(%arg2 : memref<1x128xf32, #tpu.memory_space<hbm>>) target(%arg4 : memref<1x128xf32, #tpu.memory_space<vmem>>) target_semaphore(%run_scoped3A : memref<!tpu.dma_semaphore, #tpu.memory_space<semaphore_mem>>)
      tpu.wait_dma2 semaphore(%run_scoped3A : memref<!tpu.dma_semaphore, #tpu.memory_space<semaphore_mem>>) src(%arg2 : memref<1x128xf32, #tpu.memory_space<hbm>>) dst(%arg4 : memref<1x128xf32, #tpu.memory_space<vmem>>)
      tpu.yield
    }) : () -> ()
    %get3A = arith.constant 0 : i32
    %get3A_3 = arith.index_cast %get3A : i32 to index
    %get3A_4 = arith.constant 0 : index
    %get3A_5 = tpu.vector_load %arg4[%get3A_3, %get3A_4] {strides = array<i32>} : memref<1x128xf32, #tpu.memory_space<vmem>>, vector<1x16xf32>,
    %get3A_6 = vector.shape_cast %get3A_5 : vector<1x16xf32> to vector<16xf32>
    %neg3A = arith.constant 0.000000e+00 : f32
    %neg3A_7 = vector.broadcast %neg3A : f32 to vector<16xf32>
    %neg3A_8 = arith.subf %neg3A_7, %get3A_6 : vector<16xf32>
    %exp3A = math.exp %neg3A_8 : vector<16xf32>
    %add3A_9 = arith.constant 1.000000e+00 : f32
    %add3A_10 = vector.broadcast %add3A_9 : f32 to vector<16xf32>
    %add3A_11 = arith.addf %add3A_10, %exp3A : vector<16xf32>
    %div3A = arith.constant 1.000000e+00 : f32
    %div3A_12 = vector.broadcast %div3A : f32 to vector<16xf32>
    %div3A_13 = arith.divf %div3A_12, %add3A_11 : vector<16xf32>
    %get3A_14 = arith.constant 0 : i32
    %get3A_15 = arith.index_cast %get3A_14 : i32 to index
    %get3A_16 = arith.constant 16 : index
    %get3A_17 = tpu.vector_load %arg4[%get3A_15, %get3A_16] {strides = array<i32>} : memref<1x128xf32, #tpu.memory_space<vmem>>, vector<1x16xf32>,
    %get3A_18 = vector.shape_cast %get3A_17 : vector<1x16xf32> to vector<16xf32>
    %neg3A_19 = arith.constant 0.000000e+00 : f32
    %neg3A_20 = vector.broadcast %neg3A_19 : f32 to vector<16xf32>
    %neg3A_21 = arith.subf %neg3A_20, %get3A_18 : vector<16xf32>
    %exp3A_22 = math.exp %neg3A_21 : vector<16xf32>
    %add3A_23 = arith.constant 1.000000e+00 : f32
    %add3A_24 = vector.broadcast %add3A_23 : f32 to vector<16xf32>
    %add3A_25 = arith.addf %add3A_24, %exp3A_22 : vector<16xf32>
    %div3A_26 = arith.constant 1.000000e+00 : f32
    %div3A_27 = vector.broadcast %div3A_26 : f32 to vector<16xf32>
    %div3A_28 = arith.divf %div3A_27, %add3A_25 : vector<16xf32>
    %get3A_29 = arith.constant 0 : i32
    %get3A_30 = arith.index_cast %get3A_29 : i32 to index
    %get3A_31 = arith.constant 32 : index
    %get3A_32 = tpu.vector_load %arg4[%get3A_30, %get3A_31] {strides = array<i32>} : memref<1x128xf32, #tpu.memory_space<vmem>>, vector<1x16xf32>,
    %get3A_33 = vector.shape_cast %get3A_32 : vector<1x16xf32> to vector<16xf32>
    %neg3A_34 = arith.constant 0.000000e+00 : f32
    %neg3A_35 = vector.broadcast %neg3A_34 : f32 to vector<16xf32>
    %neg3A_36 = arith.subf %neg3A_35, %get3A_33 : vector<16xf32>
    %exp3A_37 = math.exp %neg3A_36 : vector<16xf32>
    %add3A_38 = arith.constant 1.000000e+00 : f32
    %add3A_39 = vector.broadcast %add3A_38 : f32 to vector<16xf32>
    %add3A_40 = arith.addf %add3A_39, %exp3A_37 : vector<16xf32>
    %div3A_41 = arith.constant 1.000000e+00 : f32
    %div3A_42 = vector.broadcast %div3A_41 : f32 to vector<16xf32>
    %div3A_43 = arith.divf %div3A_42, %add3A_40 : vector<16xf32>
    %get3A_44 = arith.constant 0 : i32
    %get3A_45 = arith.index_cast %get3A_44 : i32 to index
    %get3A_46 = arith.constant 48 : index
    %get3A_47 = tpu.vector_load %arg4[%get3A_45, %get3A_46] {strides = array<i32>} : memref<1x128xf32, #tpu.memory_space<vmem>>, vector<1x16xf32>,
    %get3A_48 = vector.shape_cast %get3A_47 : vector<1x16xf32> to vector<16xf32>
    %neg3A_49 = arith.constant 0.000000e+00 : f32
    %neg3A_50 = vector.broadcast %neg3A_49 : f32 to vector<16xf32>
    %neg3A_51 = arith.subf %neg3A_50, %get3A_48 : vector<16xf32>
    %exp3A_52 = math.exp %neg3A_51 : vector<16xf32>
    %add3A_53 = arith.constant 1.000000e+00 : f32
    %add3A_54 = vector.broadcast %add3A_53 : f32 to vector<16xf32>
    %add3A_55 = arith.addf %add3A_54, %exp3A_52 : vector<16xf32>
    %div3A_56 = arith.constant 1.000000e+00 : f32
    %div3A_57 = vector.broadcast %div3A_56 : f32 to vector<16xf32>
    %div3A_58 = arith.divf %div3A_57, %add3A_55 : vector<16xf32>
    %get3A_59 = arith.constant 0 : i32
    %get3A_60 = arith.index_cast %get3A_59 : i32 to index
    %get3A_61 = arith.constant 64 : index
    %get3A_62 = tpu.vector_load %arg4[%get3A_60, %get3A_61] {strides = array<i32>} : memref<1x128xf32, #tpu.memory_space<vmem>>, vector<1x16xf32>,
    %get3A_63 = vector.shape_cast %get3A_62 : vector<1x16xf32> to vector<16xf32>
    %neg3A_64 = arith.constant 0.000000e+00 : f32
    %neg3A_65 = vector.broadcast %neg3A_64 : f32 to vector<16xf32>
    %neg3A_66 = arith.subf %neg3A_65, %get3A_63 : vector<16xf32>
    %exp3A_67 = math.exp %neg3A_66 : vector<16xf32>
    %add3A_68 = arith.constant 1.000000e+00 : f32
    %add3A_69 = vector.broadcast %add3A_68 : f32 to vector<16xf32>
    %add3A_70 = arith.addf %add3A_69, %exp3A_67 : vector<16xf32>
    %div3A_71 = arith.constant 1.000000e+00 : f32
    %div3A_72 = vector.broadcast %div3A_71 : f32 to vector<16xf32>
    %div3A_73 = arith.divf %div3A_72, %add3A_70 : vector<16xf32>
    %get3A_74 = arith.constant 0 : i32
    %get3A_75 = arith.index_cast %get3A_74 : i32 to index
    %get3A_76 = arith.constant 80 : index
    %get3A_77 = tpu.vector_load %arg4[%get3A_75, %get3A_76] {strides = array<i32>} : memref<1x128xf32, #tpu.memory_space<vmem>>, vector<1x16xf32>,
    %get3A_78 = vector.shape_cast %get3A_77 : vector<1x16xf32> to vector<16xf32>
    %neg3A_79 = arith.constant 0.000000e+00 : f32
    %neg3A_80 = vector.broadcast %neg3A_79 : f32 to vector<16xf32>
    %neg3A_81 = arith.subf %neg3A_80, %get3A_78 : vector<16xf32>
    %exp3A_82 = math.exp %neg3A_81 : vector<16xf32>
    %add3A_83 = arith.constant 1.000000e+00 : f32
    %add3A_84 = vector.broadcast %add3A_83 : f32 to vector<16xf32>
    %add3A_85 = arith.addf %add3A_84, %exp3A_82 : vector<16xf32>
    %div3A_86 = arith.constant 1.000000e+00 : f32
    %div3A_87 = vector.broadcast %div3A_86 : f32 to vector<16xf32>
    %div3A_88 = arith.divf %div3A_87, %add3A_85 : vector<16xf32>
    %get3A_89 = arith.constant 0 : i32
    %get3A_90 = arith.index_cast %get3A_89 : i32 to index
    %get3A_91 = arith.constant 96 : index
    %get3A_92 = tpu.vector_load %arg4[%get3A_90, %get3A_91] {strides = array<i32>} : memref<1x128xf32, #tpu.memory_space<vmem>>, vector<1x16xf32>,
    %get3A_93 = vector.shape_cast %get3A_92 : vector<1x16xf32> to vector<16xf32>
    %neg3A_94 = arith.constant 0.000000e+00 : f32
    %neg3A_95 = vector.broadcast %neg3A_94 : f32 to vector<16xf32>
    %neg3A_96 = arith.subf %neg3A_95, %get3A_93 : vector<16xf32>
    %exp3A_97 = math.exp %neg3A_96 : vector<16xf32>
    %add3A_98 = arith.constant 1.000000e+00 : f32
    %add3A_99 = vector.broadcast %add3A_98 : f32 to vector<16xf32>
    %add3A_100 = arith.addf %add3A_99, %exp3A_97 : vector<16xf32>
    %div3A_101 = arith.constant 1.000000e+00 : f32
    %div3A_102 = vector.broadcast %div3A_101 : f32 to vector<16xf32>
    %div3A_103 = arith.divf %div3A_102, %add3A_100 : vector<16xf32>
    %get3A_104 = arith.constant 0 : i32
    %get3A_105 = arith.index_cast %get3A_104 : i32 to index
    %get3A_106 = arith.constant 112 : index
    %get3A_107 = tpu.vector_load %arg4[%get3A_105, %get3A_106] {strides = array<i32>} : memref<1x128xf32, #tpu.memory_space<vmem>>, vector<1x16xf32>,
    %get3A_108 = vector.shape_cast %get3A_107 : vector<1x16xf32> to vector<16xf32>
    %neg3A_109 = arith.constant 0.000000e+00 : f32
    %neg3A_110 = vector.broadcast %neg3A_109 : f32 to vector<16xf32>
    %neg3A_111 = arith.subf %neg3A_110, %get3A_108 : vector<16xf32>
    %exp3A_112 = math.exp %neg3A_111 : vector<16xf32>
    %add3A_113 = arith.constant 1.000000e+00 : f32
    %add3A_114 = vector.broadcast %add3A_113 : f32 to vector<16xf32>
    %add3A_115 = arith.addf %add3A_114, %exp3A_112 : vector<16xf32>
    %div3A_116 = arith.constant 1.000000e+00 : f32
    %div3A_117 = vector.broadcast %div3A_116 : f32 to vector<16xf32>
    %div3A_118 = arith.divf %div3A_117, %add3A_115 : vector<16xf32>
    %scan3A = arith.constant 0 : i32
    %scan3A_119 = arith.constant 0 : i32
    %scan3A_120 = arith.constant 256 : i32
    %scan3A_121 = arith.addi %scan3A_119, %scan3A_120 : i32
    %scan3A_122 = arith.constant 1 : i32
    scf.for %scan3A_142 = %scan3A_119 to %scan3A_121 step %scan3A_122  : i32 {
      %swap3A = arith.index_cast %scan3A_142 : i32 to index
      %swap3A_143 = arith.constant 0 : index
      %swap3A_144 = tpu.vector_load %arg5[%swap3A, %swap3A_143] {strides = array<i32>} : memref<256x128xf32, #tpu.memory_space<vmem>>, vector<1x16xf32>,
      %swap3A_145 = vector.shape_cast %swap3A_144 : vector<1x16xf32> to vector<16xf32>
      %swap3A_146 = vector.shape_cast %div3A_13 : vector<16xf32> to vector<1x16xf32>
      tpu.vector_store %arg5[%swap3A, %swap3A_143], %swap3A_146 {strides = array<i32>} : memref<256x128xf32, #tpu.memory_space<vmem>>, vector<1x16xf32>,
      %swap3A_147 = arith.index_cast %scan3A_142 : i32 to index
      %swap3A_148 = arith.constant 16 : index
      %swap3A_149 = tpu.vector_load %arg5[%swap3A_147, %swap3A_148] {strides = array<i32>} : memref<256x128xf32, #tpu.memory_space<vmem>>, vector<1x16xf32>,
      %swap3A_150 = vector.shape_cast %swap3A_149 : vector<1x16xf32> to vector<16xf32>
      %swap3A_151 = vector.shape_cast %div3A_28 : vector<16xf32> to vector<1x16xf32>
      tpu.vector_store %arg5[%swap3A_147, %swap3A_148], %swap3A_151 {strides = array<i32>} : memref<256x128xf32, #tpu.memory_space<vmem>>, vector<1x16xf32>,
      %swap3A_152 = arith.index_cast %scan3A_142 : i32 to index
      %swap3A_153 = arith.constant 32 : index
      %swap3A_154 = tpu.vector_load %arg5[%swap3A_152, %swap3A_153] {strides = array<i32>} : memref<256x128xf32, #tpu.memory_space<vmem>>, vector<1x16xf32>,
      %swap3A_155 = vector.shape_cast %swap3A_154 : vector<1x16xf32> to vector<16xf32>
      %swap3A_156 = vector.shape_cast %div3A_43 : vector<16xf32> to vector<1x16xf32>
      tpu.vector_store %arg5[%swap3A_152, %swap3A_153], %swap3A_156 {strides = array<i32>} : memref<256x128xf32, #tpu.memory_space<vmem>>, vector<1x16xf32>,
      %swap3A_157 = arith.index_cast %scan3A_142 : i32 to index
      %swap3A_158 = arith.constant 48 : index
      %swap3A_159 = tpu.vector_load %arg5[%swap3A_157, %swap3A_158] {strides = array<i32>} : memref<256x128xf32, #tpu.memory_space<vmem>>, vector<1x16xf32>,
      %swap3A_160 = vector.shape_cast %swap3A_159 : vector<1x16xf32> to vector<16xf32>
      %swap3A_161 = vector.shape_cast %div3A_58 : vector<16xf32> to vector<1x16xf32>
      tpu.vector_store %arg5[%swap3A_157, %swap3A_158], %swap3A_161 {strides = array<i32>} : memref<256x128xf32, #tpu.memory_space<vmem>>, vector<1x16xf32>,
      %swap3A_162 = arith.index_cast %scan3A_142 : i32 to index
      %swap3A_163 = arith.constant 64 : index
      %swap3A_164 = tpu.vector_load %arg5[%swap3A_162, %swap3A_163] {strides = array<i32>} : memref<256x128xf32, #tpu.memory_space<vmem>>, vector<1x16xf32>,
      %swap3A_165 = vector.shape_cast %swap3A_164 : vector<1x16xf32> to vector<16xf32>
      %swap3A_166 = vector.shape_cast %div3A_73 : vector<16xf32> to vector<1x16xf32>
      tpu.vector_store %arg5[%swap3A_162, %swap3A_163], %swap3A_166 {strides = array<i32>} : memref<256x128xf32, #tpu.memory_space<vmem>>, vector<1x16xf32>,
      %swap3A_167 = arith.index_cast %scan3A_142 : i32 to index
      %swap3A_168 = arith.constant 80 : index
      %swap3A_169 = tpu.vector_load %arg5[%swap3A_167, %swap3A_168] {strides = array<i32>} : memref<256x128xf32, #tpu.memory_space<vmem>>, vector<1x16xf32>,
      %swap3A_170 = vector.shape_cast %swap3A_169 : vector<1x16xf32> to vector<16xf32>
      %swap3A_171 = vector.shape_cast %div3A_88 : vector<16xf32> to vector<1x16xf32>
      tpu.vector_store %arg5[%swap3A_167, %swap3A_168], %swap3A_171 {strides = array<i32>} : memref<256x128xf32, #tpu.memory_space<vmem>>, vector<1x16xf32>,
      %swap3A_172 = arith.index_cast %scan3A_142 : i32 to index
      %swap3A_173 = arith.constant 96 : index
      %swap3A_174 = tpu.vector_load %arg5[%swap3A_172, %swap3A_173] {strides = array<i32>} : memref<256x128xf32, #tpu.memory_space<vmem>>, vector<1x16xf32>,
      %swap3A_175 = vector.shape_cast %swap3A_174 : vector<1x16xf32> to vector<16xf32>
      %swap3A_176 = vector.shape_cast %div3A_103 : vector<16xf32> to vector<1x16xf32>
      tpu.vector_store %arg5[%swap3A_172, %swap3A_173], %swap3A_176 {strides = array<i32>} : memref<256x128xf32, #tpu.memory_space<vmem>>, vector<1x16xf32>,
      %swap3A_177 = arith.index_cast %scan3A_142 : i32 to index
      %swap3A_178 = arith.constant 112 : index
      %swap3A_179 = tpu.vector_load %arg5[%swap3A_177, %swap3A_178] {strides = array<i32>} : memref<256x128xf32, #tpu.memory_space<vmem>>, vector<1x16xf32>,
      %swap3A_180 = vector.shape_cast %swap3A_179 : vector<1x16xf32> to vector<16xf32>
      %swap3A_181 = vector.shape_cast %div3A_118 : vector<16xf32> to vector<1x16xf32>
      tpu.vector_store %arg5[%swap3A_177, %swap3A_178], %swap3A_181 {strides = array<i32>} : memref<256x128xf32, #tpu.memory_space<vmem>>, vector<1x16xf32>,
    }
    %scan3A_123 = arith.constant 256 : i32
    %add3A_124 = arith.constant 0 : i32
    %add3A_125 = arith.addi %mul3A_2, %add3A_124 : i32
    %dma_start3A = arith.constant 0 : i32
    %dma_start3A_126 = tpu.memref_slice %arg3[%add3A_125, %dma_start3A] : memref<16384x128xf32, #tpu.memory_space<hbm>> -> memref<256x128xf32, #tpu.memory_space<hbm>>
    %dma_start3A_127 = arith.constant 0 : i32
    %dma_start3A_128 = tpu.memref_slice %arg3[%add3A_125, %dma_start3A_127] : memref<16384x128xf32, #tpu.memory_space<hbm>> -> memref<256x128xf32, #tpu.memory_space<hbm>>
    tpu.enqueue_dma source(%arg5 : memref<256x128xf32, #tpu.memory_space<vmem>>) target(%dma_start3A_128 : memref<256x128xf32, #tpu.memory_space<hbm>>) target_semaphore(%arg6 : memref<!tpu.dma_semaphore, #tpu.memory_space<semaphore_mem>>)
    %add3A_129 = arith.constant 256 : i32
    %add3A_130 = arith.addi %mul3A_2, %add3A_129 : i32
    %dma_start3A_131 = arith.constant 0 : i32
    %dma_start3A_132 = tpu.memref_slice %arg3[%add3A_130, %dma_start3A_131] : memref<16384x128xf32, #tpu.memory_space<hbm>> -> memref<256x128xf32, #tpu.memory_space<hbm>>
    %dma_start3A_133 = arith.constant 0 : i32
    %dma_start3A_134 = tpu.memref_slice %arg3[%add3A_130, %dma_start3A_133] : memref<16384x128xf32, #tpu.memory_space<hbm>> -> memref<256x128xf32, #tpu.memory_space<hbm>>
    tpu.enqueue_dma source(%arg5 : memref<256x128xf32, #tpu.memory_space<vmem>>) target(%dma_start3A_134 : memref<256x128xf32, #tpu.memory_space<hbm>>) target_semaphore(%arg6 : memref<!tpu.dma_semaphore, #tpu.memory_space<semaphore_mem>>)
    %dma_wait3A = arith.constant 0 : i32
    %dma_wait3A_135 = tpu.memref_slice %arg3[%add3A_125, %dma_wait3A] : memref<16384x128xf32, #tpu.memory_space<hbm>> -> memref<256x128xf32, #tpu.memory_space<hbm>>
    %dma_wait3A_136 = arith.constant 0 : i32
    %dma_wait3A_137 = tpu.memref_slice %arg3[%add3A_125, %dma_wait3A_136] : memref<16384x128xf32, #tpu.memory_space<hbm>> -> memref<256x128xf32, #tpu.memory_space<hbm>>
    tpu.wait_dma2 semaphore(%arg6 : memref<!tpu.dma_semaphore, #tpu.memory_space<semaphore_mem>>) src(%arg5 : memref<256x128xf32, #tpu.memory_space<vmem>>) dst(%dma_wait3A_137 : memref<256x128xf32, #tpu.memory_space<hbm>>)
    %dma_wait3A_138 = arith.constant 0 : i32
    %dma_wait3A_139 = tpu.memref_slice %arg3[%add3A_130, %dma_wait3A_138] : memref<16384x128xf32, #tpu.memory_space<hbm>> -> memref<256x128xf32, #tpu.memory_space<hbm>>
    %dma_wait3A_140 = arith.constant 0 : i32
    %dma_wait3A_141 = tpu.memref_slice %arg3[%add3A_130, %dma_wait3A_140] : memref<16384x128xf32, #tpu.memory_space<hbm>> -> memref<256x128xf32, #tpu.memory_space<hbm>>
    tpu.wait_dma2 semaphore(%arg6 : memref<!tpu.dma_semaphore, #tpu.memory_space<semaphore_mem>>) src(%arg5 : memref<256x128xf32, #tpu.memory_space<vmem>>) dst(%dma_wait3A_141 : memref<256x128xf32, #tpu.memory_space<hbm>>)
    return
  }
}

</mosaic_0001>

<sc_bundles>
// kernel: _emb_sigmoid.3.cloned.1.call-start
scs
__scs_entry_jumppad:
0x0: {  	(pc) =	sbr.rel $0x88, $3  }
0x1: {  	(tag) =	ssettag $0x0;
	lr =	simm.s32 $0x1  }
0x2: {  	[smem:$0x3FA0] =	sst lr;
	_ =	strace $0xD0000000  }
0x3: {  	_ = 	snop  }
0x4: {  	_ = 	snop  }
0x5: {  	_ = 	snop  }
0x6: {  	_ = 	snop  }
0x7: {  	_ = 	snop  }
__scs_overlays_trampoline_lowered:
0x8: {  	[smem:$0x3FAF] =	sst s0  }
0x9: {  	[smem:$0x3FB0] =	sst s1  }
0xa: {  	[smem:$0x3FB1] =	sst s2  }
0xb: {  	[smem:$0x3FB2] =	sst s3  }
0xc: {  	[smem:$0x3FB3] =	sst s4  }
0xd: {  	[smem:$0x3FB4] =	sst s5  }
0xe: {  	[smem:$0x3FB5] =	sst s6  }
0xf: {  	[smem:$0x3FB6] =	sst s7  }
0x10: {  	[smem:$0x3FB7] =	sst s8  }
0x11: {  	[smem:$0x3FB8] =	sst s9;
	s0 =	simm.s32 @!p0 $0x0  }
0x12: {  	s1 =	sld [smem:$0x3F9E];
	s0 =	simm.s32 @p0 $0x1  }
0x13: {  	[smem:$0x3FB9] =	sst s0;
	s0 =	simm.s32 @!p1 $0x0  }
0x14: {  	s2 =	sld [smem:$0x3F9D];
	s0 =	simm.s32 @p1 $0x1  }
0x15: {  	[smem:$0x3FBA] =	sst s0;
	s0 =	simm.s32 @!p2 $0x0  }
0x16: {  	s3 =	sld [smem:$0x3FDB];
	s0 =	simm.s32 @p2 $0x1  }
0x17: {  	s4 =	simm.s32 $0x1BF5;
	[smem:$0x3FBC] =	sst s0  }
0x18: {  	s0 =	sld [smem:$0x3F9F];
	_ =	swait.ge [sflag:s4], $0x0  }
0x19: {  	s7 =	sld [smem:$0x3FA0]  }
0x1a: {  	s8 =	sadd.s32 $0xFFFFE003, lr  }
0x1b: {  	s9 =	sadd.s32 $0xFFFFFEF7, lr;
	s5 =	simm.s32 $0xFFFFFFFF;
	p2 =	slt.u32 s8, $0xFFFFF086  }
0x1c: {  	p1 =	slt.u32 s9, $0xF7A;
	s5 =	simm.s32 @!p2 $0x0  }
0x1d: {  	s5 =	simm.s32 @p1 $0x1;
	p0 =	seq.s32 s7, s2  }
0x1e: {  	s7 =	smul.u32 @!p0 $0xF7A, s2;
	p2 =	seq.s32 @!p0 s5, $0x0  }
0x1f: {  	s9 =	smul.u32 $0xF7A, s1;
	s8 =	simm.s32 @!p0 $0x1BF5;
	p2 =	por !p2, p0  }
0x20: {  	[sflag:s8] =	ssyncset.s32 @!p0 $0xFFFFF086;
	s6 =	sadd.s32 @!p0 s3, s7;
	s7 =	simm.s32 @!p0 $0x108  }
0x21: {  	s3 =	sadd.s32 s3, s9;
	s6 =	sadd.s32 @!p0 $0x88, s6;
	s7 =	simm.s32 @p2 $0x1082  }
0x22: {  	[simem:s7], [sflag:s8] =	dma.local @!p0 [hbm:s6], $0xF7A  }
0x23: {  	s9 =	sor.u32 $0xD0000000, s2;
	s6 =	simm.s32 $0x108;
	_ =	swait.ge @!p0 [sflag:s8], $0x0  }
0x24: {  	s3 =	sadd.s32 $0x88, s3;
	s6 =	simm.s32 @!p1 $0x1082;
	[sflag:s4] =	ssyncset.s32 $0xFFFFF086  }
0x25: {  	[simem:s6], [sflag:s4] =	dma.local [hbm:s3], $0xF7A  }
0x26: {  	[smem:$0x3FA0] =	sst s1;
	(tag) =	ssettag s2;
	_ =	strace s9  }
0x27: {  	s1 =	sld [smem:$0x3FB0]  }
0x28: {  	s2 =	sld [smem:$0x3FB1]  }
0x29: {  	s4 =	sld [smem:$0x3FB3]  }
0x2a: {  	p0 =	seq.s32 s5, $0x0;
	s5 =	sld [smem:$0x3FB4]  }
0x2b: {  	s6 =	sld [smem:$0x3FB5]  }
0x2c: {  	s7 =	sld [smem:$0x3FB6]  }
0x2d: {  	s3 =	simm.s32 $0x108;
	s8 =	sld [smem:$0x3FB7]  }
0x2e: {  	s3 =	simm.s32 @!p0 $0x1082;
	s9 =	sld [smem:$0x3FB8]  }
0x2f: {  	lr =	sadd.s32 s0, s3;
	s0 =	sld [smem:$0x3FAF]  }
0x30: {  	s3 =	sld [smem:$0x3FB2]  }
0x31: {  	[smem:$0x3FBB] =	sst s10  }
0x32: {  	s10 =	sld [smem:$0x3FB9];
	_ =	sdelay $0x3  }
0x33: {  	p0 =	seq.s32 s10, $0x1;
	s10 =	sld [smem:$0x3FBB];
	_ =	sdelay $0x3  }
0x34: {  	[smem:$0x3FBB] =	sst s10  }
0x35: {  	s10 =	sld [smem:$0x3FBA];
	_ =	sdelay $0x3  }
0x36: {  	p1 =	seq.s32 s10, $0x1;
	s10 =	sld [smem:$0x3FBB];
	_ =	sdelay $0x3  }
0x37: {  	[smem:$0x3FBB] =	sst s10  }
0x38: {  	s10 =	sld [smem:$0x3FBC]  }
0x39: {  	_ = 	snop;
	(pc) =	sbr.ind lr, $3  }
0x3a: {  	_ = 	snop  }
0x3b: {  	_ = 	snop  }
0x3c: {  	p2 =	seq.s32 s10, $0x1;
	s10 =	sld [smem:$0x3FBB]  }
0x3d: {  	_ =	shalt  }
0x3e: {  	_ =	shalt  }
0x3f: {  	_ =	shalt  }
0x40: {  	_ =	shalt  }
0x41: {  	_ =	shalt  }
0x42: {  	_ =	shalt  }
0x43: {  	_ =	shalt  }
0x44: {  	_ =	shalt  }
0x45: {  	_ =	shalt  }
0x46: {  	_ =	shalt  }
0x47: {  	_ =	shalt  }
0x48: {  	_ =	shalt  }
0x49: {  	_ =	shalt  }
0x4a: {  	_ =	shalt  }
0x4b: {  	_ =	shalt  }
0x4c: {  	_ =	shalt  }
0x4d: {  	_ =	shalt  }
0x4e: {  	_ =	shalt  }
0x4f: {  	_ =	shalt  }
0x50: {  	_ =	shalt  }
0x51: {  	_ =	shalt  }
0x52: {  	_ =	shalt  }
0x53: {  	_ =	shalt  }
0x54: {  	_ =	shalt  }
0x55: {  	_ =	shalt  }
0x56: {  	_ =	shalt  }
0x57: {  	_ =	shalt  }
0x58: {  	_ =	shalt  }
0x59: {  	_ =	shalt  }
0x5a: {  	_ =	shalt  }
0x5b: {  	_ =	shalt  }
0x5c: {  	_ =	shalt  }
0x5d: {  	_ =	shalt  }
0x5e: {  	_ =	shalt  }
0x5f: {  	_ =	shalt  }
0x60: {  	_ =	shalt  }
0x61: {  	_ =	shalt  }
0x62: {  	_ =	shalt  }
0x63: {  	_ =	shalt  }
0x64: {  	_ =	shalt  }
0x65: {  	_ =	shalt  }
0x66: {  	_ =	shalt  }
0x67: {  	_ =	shalt  }
0x68: {  	_ =	shalt  }
0x69: {  	_ =	shalt  }
0x6a: {  	_ =	shalt  }
0x6b: {  	_ =	shalt  }
0x6c: {  	_ =	shalt  }
0x6d: {  	_ =	shalt  }
0x6e: {  	_ =	shalt  }
0x6f: {  	_ =	shalt  }
0x70: {  	_ =	shalt  }
0x71: {  	_ =	shalt  }
0x72: {  	_ =	shalt  }
0x73: {  	_ =	shalt  }
0x74: {  	_ =	shalt  }
0x75: {  	_ =	shalt  }
0x76: {  	_ =	shalt  }
0x77: {  	_ =	shalt  }
0x78: {  	_ =	shalt  }
0x79: {  	_ =	shalt  }
0x7a: {  	_ =	shalt  }
0x7b: {  	_ =	shalt  }
0x7c: {  	_ =	shalt  }
0x7d: {  	_ =	shalt  }
0x7e: {  	_ =	shalt  }
0x7f: {  	_ =	shalt  }
0x80: {  	_ =	shalt  }
0x81: {  	_ =	shalt  }
0x82: {  	_ =	shalt  }
0x83: {  	_ =	shalt  }
0x84: {  	_ =	shalt  }
0x85: {  	_ =	shalt  }
0x86: {  	_ =	shalt  }
0x87: {  	_ =	shalt  }
.Lfunc_end0:
.L_simem_size_0:
called_computation_lowered:
.L_overlay_start_0:
0x88: {  	s2 =	sld [smem:$0x3FD9]  }
0x89: {  	s3 =	sld [smem:$0x3FFE];
	_ =	sdelay $0x1  }
0x8a: {  	s1 =	srdreg.scid  }
0x8b: {  	s0 =	sand.u32 $0x1, s1  }
0x8c: {  	s18 =	sshll.u32 s0, $0xA;
	s2 =	sadd.s32 s3, s2  }
0x8d: {  	s2 =	sadd.s32 s2, s18  }
0x8e: {  	[smem:$0x3FC7] =	sst s2  }
0x8f: {  	_ = 	snop  }
0x90: {  	s2 =	sld [smem:$0x3FC9]  }
0x91: {  	s19 =	sld [smem:$0x3FD0];
	(tm) =	ssettm $0x1  }
0x92: {  	s4 =	sld [smem:$0x3FFB];
	_ =	sdelay $0x3  }
0x93: {  	_ =	strace s4  }
0x94: {  	s4 =	sld [smem:$0x3FFC];
	_ =	sdelay $0x3  }
0x95: {  	_ =	strace s4  }
0x96: {  	s4 =	sld [smem:$0x3FFD];
	_ =	sdelay $0x3  }
0x97: {  	_ =	strace s4  }
0x98: {  	_ =	strace $0x8FFFFFFF  }
0x99: {  	s20 =	sld [smem:$0x3FDB];
	_ =	sdelay $0x1  }
0x9a: {  	s5 =	simm.s32 $_scs_section_size  }
0x9b: {  	s6 =	simm.s32 $_size__tile_overlayer_lowered;
	s7 =	simm.s32 $_tile_overlayer_lowered  }
0x9c: {  	s23 =	simm.s32 $0x1BFF;
	s22 =	sshll.u32 s7, $0x1;
	s4 =	sadd.s32 s5, s20  }
0x9d: {  	s8 =	simm.s32 $0x0;
	s21 =	sshll.u32 s6, $0x1;
	s6 =	sadd.s32 s22, s4  }
0x9e: {  	[timem:s8], [sflag:s23] =	dma.local [hbm:s6], s21  }
0x9f: {  	_ =	swait.ge [sflag:s23], s21  }
0xa0: {  	s5 =	ssub.s32 $0x0, s21;
	[sflag:s23] =	ssyncset.done $0x0  }
0xa1: {  	[sflag:s23] =	ssyncadd.s32 s5;
	_ =	sdelay $0x1  }
0xa2: {  	s24 =	simm.s32 $0x1B8B  }
0xa3: {  	_ =	swait.ge [sflag:s24], $0x1  }
0xa4: {  	[sflag:s24] =	ssyncset.done $0x0  }
0xa5: {  	s25 =	simm.s32 $0x1B8E;
	[sflag:s24] =	ssyncadd.s32 $0xFFFFFFFF  }
0xa6: {  	s26 =	simm.s32 $execute0_lowered;
	[smem:$0x3FD2] =	sst s25  }
0xa7: {  	s5 =	sshll.u32 s26, $0x1;
	_ =	strace $0x80000046;
	[dreg:$0x1] =	wrdreg $0xFFFFFFFF  }
0xa8: {  	s28 =	simm.s32 $_size_execute0_lowered;
	s4 =	sadd.s32 s4, s5;
	[dreg:$0x0] =	wrdreg $0x0  }
0xa9: {  	s5 =	sshll.u32 s28, $0x1;
	[dreg:$0x2] =	wrdreg s4  }
0xaa: {  	[dreg:$0x3] =	wrdreg s5  }
0xab: {  	[dreg:$0x4] =	wrdreg $0xC0  }
0xac: {  	_ =	task [dreg:s8], $0x5FFFF  }
0xad: {  	[dreg:$0x1] =	wrdreg $0xFFFFFFFF  }
0xae: {  	[dreg:$0x0] =	wrdreg $0x60  }
0xaf: {  	[dreg:$0x2] =	wrdreg s2  }
0xb0: {  	[dreg:$0x3] =	wrdreg s19  }
0xb1: {  	[dreg:$0x4] =	wrdreg $0x9  }
0xb2: {  	_ =	task.clear_ibuf [dreg:s8], $0x5FFFF;
	_ =	strace $0x90000046  }
0xb3: {  	s29 =	simm.s32 $0x9;
	_ =	strace $0x80000048  }
0xb4: {  	_ =	swait.ge [sflag:s29], $0x1  }
0xb5: {  	[sflag:s29] =	ssyncadd.s32 $0xFFFFFFFF  }
0xb6: {  	_ =	strace $0x90000048  }
0xb7: {  	_ =	sfence  }
0xb8: {  	s30 =	sld [smem:$0x0];
	_ =	sdelay $0x2  }
0xb9: {  	s31 =	sshll.u32 s1, $0xD;
	s1 =	sshrl.u32 s1, $0x2  }
0xba: {  	s3 =	sand.u32 $0x4000, s31;
	s1 =	sadd.s32 s1, s30  }
0xbb: {  	s0 =	sor.u32 s3, s0;
	s1 =	sshll.u32 s1, $0x11  }
0xbc: {  	s0 =	sor.u32 s1, s0  }
0xbd: {  	s0 =	sadd.s32 $0x8F2B, s0  }
0xbe: {  	[sflag:s0] =	ssyncadd.remote.s32 $0x1  }
0xbf: {  	_ =	sfence.sel $0xFFFF  }
0xc0: {  	[dreg:$0x0] =	wrdreg $0xFFFFFFFF;
	(pc) =	sbr.abs _section_cstart, $3  }
0xc1: {  	[dreg:$0x1] =	wrdreg $0xFFFFFFFF  }
0xc2: {  	_ =	task.clear_ibuf [dreg:s8], $0x2FFFF;
	_ =	strace $0x9FFFFFFF  }
0xc3: {  	(tm) =	ssettm $0x7FFFFFFF  }
tec
execute0_lowered:
.L_overlay_start_1:
0x0: {  	(tag) =	ssettag $0x1  }
0x1: {  	s1 =	rddreg [dreg:$0x0]  }
0x2: {  	s4 =	rddreg [dreg:$0x1]  }
0x3: {  	s0 =	rddreg [dreg:$0x2];
	s5 =	srdreg.scid  }
0x4: {  	s3 =	simm.s32 $0x0;
	s2 =	stileid.u32;
	s9 =	simm.s32 $0x1  }
0x5: {  	s10 =	simm.s32 $0x0;
	s5 =	sand.u32 $0x1, s5;
	s7 =	sshll.u32 s2, $0xE  }
0x6: {  	[smem:$0x7FF] =	sst s3;
	s6 =	ssub.s32 $0x2, s5;
	s5 =	sshll.u32 s5, $0xD  }
0x7: {  	_ =	strace $0x80000047;
	s8 =	sshrl.u32 s6, $0x1;
	s5 =	sor.u32 s5, s7  }
0x8: {  	s7 =	simm.s32 $0x2;
	s6 =	ssub.s32 s6, s8;
	s4 =	sadd.s32 s4, s5  }
0x9: {  	s8 =	simm.s32 $0x80;
	s5 =	sadd.s32 $0x1000, s4;
	s6 =	smax.u32 s6, $0x1  }
.LBB2_1:
0xa: {  	[tilespmem:s3], [sflag:$0x2] =	stream.linear.gather [hbm4b:s1+s3], $0x80, $0x38;
	[tilespmem:$0x8080] =	vst v63  }
0xb: {  	_ =	swait.ge [sflag:s7], $0x80  }
0xc: {  	[sflag:s7] =	ssyncset.done $0x0  }
0xd: {  	[sflag:s7] =	ssyncadd.s32 $0xFFFFFF80  }
0xe: {  	v0 =	vld [tilespmem:$0x0];
	_ =	sdelay $0x4  }
0xf: {  	v0 =	vsub.f32 $0.0e+00, v0;
	_ =	sdelay $0x1  }
0x10: {  	v0 =	vmul.f32 $1.442695020e+00, v0;
	_ =	sdelay $0x1  }
0x11: {  	(erf) = vpow2.f32 v0;
	_ =	sdelay $0x3  }
0x12: {  	v0 =	vld [tilespmem:$0x10];
	_ =	sdelay $0x4  }
0x13: {  	v0 =	vsub.f32 $0.0e+00, v0;
	v1 =	vpop (erf)  }
0x14: {  	v1 =	vadd.f32 $1.000000000e+00, v1  }
0x15: {  	v0 =	vmul.f32 $1.442695020e+00, v0  }
0x16: {  	(erf) = vrcp.f32 v1  }
0x17: {  	(erf) = vpow2.f32 v0;
	_ =	sdelay $0x3  }
0x18: {  	v1 =	vld [tilespmem:$0x20];
	_ =	sdelay $0x3  }
0x19: {  	v0 =	vpop (erf)  }
0x1a: {  	v1 =	vsub.f32 $0.0e+00, v1;
	v2 =	vpop (erf)  }
0x1b: {  	v2 =	vadd.f32 $1.000000000e+00, v2  }
0x1c: {  	v1 =	vmul.f32 $1.442695020e+00, v1  }
0x1d: {  	(erf) = vrcp.f32 v2  }
0x1e: {  	(erf) = vpow2.f32 v1;
	_ =	sdelay $0x3  }
0x1f: {  	v2 =	vld [tilespmem:$0x30];
	_ =	sdelay $0x3  }
0x20: {  	v1 =	vpop (erf)  }
0x21: {  	v2 =	vsub.f32 $0.0e+00, v2;
	v3 =	vpop (erf)  }
0x22: {  	v3 =	vadd.f32 $1.000000000e+00, v3  }
0x23: {  	v2 =	vmul.f32 $1.442695020e+00, v2  }
0x24: {  	(erf) = vrcp.f32 v3  }
0x25: {  	(erf) = vpow2.f32 v2;
	_ =	sdelay $0x3  }
0x26: {  	v3 =	vld [tilespmem:$0x40];
	_ =	sdelay $0x3  }
0x27: {  	v2 =	vpop (erf)  }
0x28: {  	v3 =	vsub.f32 $0.0e+00, v3;
	v4 =	vpop (erf)  }
0x29: {  	v4 =	vadd.f32 $1.000000000e+00, v4  }
0x2a: {  	v3 =	vmul.f32 $1.442695020e+00, v3  }
0x2b: {  	(erf) = vrcp.f32 v4  }
0x2c: {  	(erf) = vpow2.f32 v3;
	_ =	sdelay $0x3  }
0x2d: {  	v4 =	vld [tilespmem:$0x50];
	_ =	sdelay $0x3  }
0x2e: {  	v3 =	vpop (erf)  }
0x2f: {  	v4 =	vsub.f32 $0.0e+00, v4;
	v5 =	vpop (erf)  }
0x30: {  	v5 =	vadd.f32 $1.000000000e+00, v5  }
0x31: {  	v4 =	vmul.f32 $1.442695020e+00, v4  }
0x32: {  	(erf) = vrcp.f32 v5  }
0x33: {  	(erf) = vpow2.f32 v4;
	_ =	sdelay $0x3  }
0x34: {  	v5 =	vld [tilespmem:$0x60];
	_ =	sdelay $0x3  }
0x35: {  	v4 =	vpop (erf)  }
0x36: {  	v5 =	vsub.f32 $0.0e+00, v5;
	v6 =	vpop (erf)  }
0x37: {  	v6 =	vadd.f32 $1.000000000e+00, v6  }
0x38: {  	v5 =	vmul.f32 $1.442695020e+00, v5  }
0x39: {  	(erf) = vrcp.f32 v6  }
0x3a: {  	(erf) = vpow2.f32 v5;
	_ =	sdelay $0x3  }
0x3b: {  	v6 =	vld [tilespmem:$0x70];
	_ =	sdelay $0x3  }
0x3c: {  	v5 =	vpop (erf)  }
0x3d: {  	v6 =	vsub.f32 $0.0e+00, v6;
	v7 =	vpop (erf)  }
0x3e: {  	v7 =	vadd.f32 $1.000000000e+00, v7  }
0x3f: {  	v6 =	vmul.f32 $1.442695020e+00, v6  }
0x40: {  	(erf) = vrcp.f32 v7  }
0x41: {  	(erf) = vpow2.f32 v6;
	_ =	sdelay $0x7  }
0x42: {  	v6 =	vpop (erf)  }
0x43: {  	v7 =	vpop (erf)  }
0x44: {  	v7 =	vadd.f32 $1.000000000e+00, v7;
	_ =	sdelay $0x1  }
0x45: {  	(erf) = vrcp.f32 v7;
	_ =	sdelay $0x8  }
0x46: {  	s11 =	simm.s32 $0x0;
	s12 =	simm.s32 $0x200;
	v7 =	vpop (erf)  }
.LBB2_2:
0x47: {  	p0 =	sne.s32 s12, $0x1FE00;
	[tilespmem:s11+$0xF0] =	vst v7  }
0x48: {  	[tilespmem:s11+$0x80] =	vst v0  }
0x49: {  	[tilespmem:s11+$0x90] =	vst v1  }
.Ltmp0:
0x4a: {  	[tilespmem:s11+$0xA0] =	vst v2;
	(pc) =	sbr.rel @p0 .LBB2_2-.Ltmp0, $4  }
0x4b: {  	[tilespmem:s11+$0xB0] =	vst v3  }
0x4c: {  	[tilespmem:s11+$0xC0] =	vst v4  }
0x4d: {  	[tilespmem:s11+$0xD0] =	vst v5  }
0x4e: {  	[tilespmem:s11+$0xE0] =	vst v6;
	s11 =	sshra.s32 s12, $0x2;
	s12 =	sadd.s32 $0x200, s12  }
0x4f: {  	[tilespmem:s11+$0xF0] =	vst v7  }
0x50: {  	[tilespmem:s11+$0x80] =	vst v0  }
0x51: {  	[tilespmem:s11+$0x90] =	vst v1  }
0x52: {  	[tilespmem:s11+$0xA0] =	vst v2  }
0x53: {  	[tilespmem:s11+$0xB0] =	vst v3  }
0x54: {  	[tilespmem:s11+$0xC0] =	vst v4  }
0x55: {  	[tilespmem:s11+$0xD0] =	vst v5  }
0x56: {  	[tilespmem:s11+$0xE0] =	vst v6  }
0x57: {  	[hbm4b:s4+s3] =	stream.linear.scatter [tilespmem:s8], [sflag:$0x1], $0x8000, $0x38;
	[tilespmem:$0x8080] =	vst v63  }
0x58: {  	s10 =	sadd.s32 $0x1, s10  }
0x59: {  	[hbm4b:s5+s3] =	stream.linear.scatter [tilespmem:s8], [sflag:$0x1], $0x8000, $0x38;
	[tilespmem:$0x8080] =	vst v63  }
0x5a: {  	p0 =	sne.s32 s10, s6;
	_ =	swait.ge [sflag:s9], $0x8000  }
.Ltmp1:
0x5b: {  	[sflag:s9] =	ssyncset.done $0x0;
	(pc) =	sbr.rel @p0 .LBB2_1-.Ltmp1, $4  }
0x5c: {  	[sflag:s9] =	ssyncadd.s32 $0xFFFF8000  }
0x5d: {  	_ =	swait.ge [sflag:s9], $0x8000  }
0x5e: {  	[sflag:s9] =	ssyncset.done $0x0  }
0x5f: {  	[sflag:s9] =	ssyncadd.s32 $0xFFFF8000  }
0x60: {  	_ =	sfence.sel $0x180000  }
0x61: {  	[bflag:$0x0] =	sbarrier.arrive $0xFFFF  }
0x62: {  	p0 =	sne.s32 s2, $0x0;
	_ =	strace $0x90000047  }
0x63: {  	s0 =	sadd.s32 @!p0 $0x100000, s0;
	[bflag:$0x2] =	sbarrier.arrive $0xFFFF  }
0x64: {  	[sflag:s0] =	ssyncadd.tile.s32 @!p0 $0x1;
	_ =	shalt  }
.Lfunc_end2:
_tile_overlayer_lowered:
.L_overlay_start_2:
0x65: {  	(tag) =	ssettag $0x2  }
0x66: {  	s0 =	rddreg [dreg:$0x0];
	s2 =	stileid.u32  }
0x67: {  	s1 =	rddreg [dreg:$0x1];
	p0 =	sne.s32 s2, $0x0  }
0x68: {  	s3 =	rddreg [dreg:$0x2];
	[bflag:$0x3] =	sbarrier.arrive $0xFFFF;
	s2 =	simm.s32 @!p0 $0x1C02  }
0x69: {  	[timem:s3], [sflag:s2] =	dma.local @!p0 [hbm:s0], s1  }
0x6a: {  	s0 =	simm.s32 @!p0 $0x2  }
0x6b: {  	_ =	swait.ge @!p0 [sflag:s0], s1  }
0x6c: {  	s1 =	ssub.s32 @!p0 $0x0, s1;
	[sflag:s0] =	ssyncset.done @!p0 $0x0  }
0x6d: {  	[sflag:s0] =	ssyncadd.s32 @!p0 s1  }
0x6e: {  	[bflag:$0x3] =	sbarrier.arrive $0xFFFF  }
0x6f: {  	_ =	shalt  }

</sc_bundles>
